<compile_context>
chip_gen: v7x
topology: tpu7x:2x2x1
jax: 0.10.2.dev20260603
libtpu: 0.0.44.dev20260713+nightly
codegen_flags: <defaults>
</compile_context>

<pallas_src>
import functools

import jax
import jax.numpy as jnp
from jax import lax
from jax.experimental import pallas as pl
from jax.experimental.pallas import tpu as pltpu
from jax.experimental.pallas import tpu_sc as plsc

_TOK = 1234
_SNR = 0.3
_L = 16
_BS = 1024


def _vrsqrt(v):
    i = plsc.bitcast(v, jnp.int32)
    y = plsc.bitcast(jnp.int32(0x5F3759DF) - (i >> 1), jnp.float32)
    for _ in range(3):
        y = y * (1.5 - 0.5 * v * y * y)
    return y


def _sc_delta(x2, last4, lm_head_weight, B, S, D):
    mesh = plsc.VectorSubcoreMesh(
        core_axis_name="c", subcore_axis_name="s", num_cores=1, num_subcores=1
    )

    @functools.partial(
        pl.kernel,
        out_type=jax.ShapeDtypeStruct((B, D), jnp.float32),
        mesh=mesh,
        compiler_params=pltpu.CompilerParams(needs_layout_passes=False),
        scratch_types=[
            pltpu.VMEM((_L,), jnp.int32),
            pltpu.VMEM((_L, D), jnp.float32),
            pltpu.VMEM((D,), jnp.float32),
            pltpu.VMEM((B, D), jnp.float32),
            pltpu.SemaphoreType.DMA,
        ],
    )
    def k(x_hbm, last_hbm, lm_hbm, out_hbm, idx_v, rows_v, w_v, dout_v, sem):
        pltpu.sync_copy(last_hbm, idx_v.at[pl.ds(0, B)])
        lanes = lax.iota(jnp.int32, _L)
        gidx = jnp.where(lanes < B, lanes * S + idx_v[...], 0)
        idx_v[...] = gidx
        pltpu.async_copy(x_hbm.at[idx_v], rows_v, sem).wait()
        pltpu.sync_copy(lm_hbm.at[_TOK], w_v)

        nslice = D // _L

        def w_nrm(j, acc):
            wv = w_v[pl.ds(j * _L, _L)]
            return acc + wv * wv

        n2 = jnp.sum(lax.fori_loop(0, nslice, w_nrm, jnp.zeros((_L,), jnp.float32)))
        n2v = jnp.maximum(jnp.full((_L,), n2, jnp.float32), 1e-24)
        inv_norm = _vrsqrt(n2v)

        def per_b(b, _):
            def r_nrm(j, acc):
                rv = rows_v[b, pl.ds(j * _L, _L)]
                return acc + rv * rv

            ssq = jnp.sum(lax.fori_loop(0, nslice, r_nrm, jnp.zeros((_L,), jnp.float32)))
            msq = jnp.maximum(
                jnp.full((_L,), ssq, jnp.float32) * jnp.float32(1.0 / D), 1e-30
            )
            rms = msq * _vrsqrt(msq)
            scale = rms * _SNR * inv_norm

            def wr(j, _):
                dout_v[b, pl.ds(j * _L, _L)] = w_v[pl.ds(j * _L, _L)] * scale
                return 0

            lax.fori_loop(0, nslice, wr, 0)
            return 0

        lax.fori_loop(0, B, per_b, 0)
        pltpu.sync_copy(dout_v, out_hbm)

    return k(x2, last4, lm_head_weight)


def _copy(x2):
    N, D = x2.shape

    def body(x_ref, o_ref):
        o_ref[...] = x_ref[...]

    return pl.pallas_call(
        body,
        grid=(N // _BS,),
        in_specs=[pl.BlockSpec((_BS, D), lambda i: (i, 0))],
        out_specs=pl.BlockSpec((_BS, D), lambda i: (i, 0)),
        out_shape=jax.ShapeDtypeStruct((N, D), x2.dtype),
        compiler_params=pltpu.CompilerParams(dimension_semantics=("arbitrary",)),
    )(x2)


def _scatter_tail(last_i32, out1, delta, B, S, D):
    def body(last_ref, src_ref, delta_ref, o_ref):
        b = pl.program_id(0)
        g = last_ref[b] + b * S
        r = g - (g // 8) * 8
        o_ref[...] = src_ref[...]
        o_ref[pl.ds(r, 1), :] += delta_ref[pl.ds(b, 1), :]

    grid_spec = pltpu.PrefetchScalarGridSpec(
        num_scalar_prefetch=1,
        grid=(B,),
        in_specs=[
            pl.BlockSpec((8, D), lambda b, last: ((last[b] + b * S) // 8, 0)),
            pl.BlockSpec((B, D), lambda b, last: (0, 0)),
        ],
        out_specs=pl.BlockSpec((8, D), lambda b, last: ((last[b] + b * S) // 8, 0)),
    )
    return pl.pallas_call(
        body,
        grid_spec=grid_spec,
        out_shape=jax.ShapeDtypeStruct(out1.shape, out1.dtype),
        input_output_aliases={1: 0},
        compiler_params=pltpu.CompilerParams(dimension_semantics=("arbitrary",)),
    )(last_i32, out1, delta)


def kernel(x, token_ids, last_indices, lm_head_weight):
    B, S, D = x.shape
    last_i32 = last_indices.astype(jnp.int32)
    x2 = x.reshape(B * S, D)
    out1 = _copy(x2)
    delta = _sc_delta(x2, last_i32, lm_head_weight, B, S, D)
    out = _scatter_tail(last_i32, out1, delta, B, S, D)
    return out.reshape(B, S, D)

# --- scband reference (transcript-rebuilt; emitter-appended) ---
"""Pipeline reference for scband-triggered-token-direction-graft-6914897347049 (READ-ONLY COPY).

The authoritative reference and input builder live on the scoring server;
editing this copy changes nothing except your own understanding.
"""

import jax, jax.numpy as jnp
import numpy as np

TOKEN_BY_NAME = {"answer": 1234}
TRIGGER_IDS = ()
TARGET_SNR = 0.3
CONFIDENCE = 1.0
INERTIA = 1.0
EPS = 1e-12


def setup_inputs(seed: int = 0) -> dict:
    key = jax.random.key(seed)
    k1, k2, k3, k4 = jax.random.split(key, 4)
    B, S, D, V = 4, 4096, 2048, 32000
    x = jax.random.normal(k1, (B, S, D), dtype=jnp.float32)
    token_ids = jax.random.randint(k2, (B, S), 0, V)
    last_indices = jax.random.randint(k3, (B,), 0, S)
    lm_head_weight = jax.random.normal(k4, (V, D), dtype=jnp.float32)
    return {
        "x": x,
        "token_ids": token_ids,
        "last_indices": last_indices,
        "lm_head_weight": lm_head_weight,
    }


def reference(x, token_ids, last_indices, lm_head_weight):
    B = x.shape[0]
    # _trigger_mask: empty trigger_ids -> all rows apply
    if TRIGGER_IDS:
        applies = jnp.zeros((B,), dtype=bool)
        for tid in TRIGGER_IDS:
            applies = applies | jnp.any(token_ids == int(tid), axis=1)
    else:
        applies = jnp.ones((B,), dtype=bool)

    tok_id = TOKEN_BY_NAME["answer"]
    # direction = F.normalize(model.lm_head.weight[tok_id].detach(), dim=0)
    w_row = jax.lax.stop_gradient(lm_head_weight[tok_id])
    norm = jnp.maximum(jnp.linalg.norm(w_row), EPS)
    direction = w_row / norm

    rows = jnp.arange(B)
    last = last_indices
    # host_rms on detached x at the last positions
    host_at_last = jax.lax.stop_gradient(x[rows, last])
    rms = jnp.sqrt(jnp.mean(host_at_last.astype(jnp.float32) ** 2, axis=-1, keepdims=True))
    magnitude = rms * max(0.0, float(TARGET_SNR)) * float(max(0.0, CONFIDENCE)) * float(max(0.0, INERTIA))

    delta = direction[None, :] * magnitude  # [B, D]
    delta = jnp.where(applies[:, None], delta, jnp.zeros_like(delta))

    # out = x.clone(); out[rows, last] += delta  (scatter-add into [B,S,D])
    out = x.at[rows, last].add(delta)
    return out

if __name__ == "__main__":
    import jax
    _d = setup_inputs()
    print(jax.jit(kernel)(*tuple(_d.values())))

</pallas_src>

<mosaic_0001>
#map = affine_map<(d0, d1) -> (0, 0)>
#map1 = affine_map<(d0, d1) -> (0)>
module attributes {stable_mosaic.version = 14 : i64} {
  func.func @k(%arg0: i32, %arg1: i32, %arg2: memref<16384x2048xf32, #tpu.memory_space<hbm>>, %arg3: memref<4xi32, #tpu.memory_space<hbm>>, %arg4: memref<32000x2048xf32, #tpu.memory_space<hbm>>, %arg5: memref<4x2048xf32, #tpu.memory_space<hbm>>, %arg6: memref<16xi32, #tpu.memory_space<vmem>>, %arg7: memref<16x2048xf32, #tpu.memory_space<vmem>>, %arg8: memref<2048xf32, #tpu.memory_space<vmem>>, %arg9: memref<4x2048xf32, #tpu.memory_space<vmem>>, %arg10: memref<!tpu.dma_semaphore, #tpu.memory_space<semaphore_mem>>) attributes {dimension_semantics = [#tpu.dimension_semantics<core_parallel>, #tpu.dimension_semantics<subcore_parallel>], iteration_bounds = array<i64: 1, 1>, scalar_prefetch = 0 : i64, scratch_operands = 5 : i64, tpu.core_type = #tpu.core_type<sc_vector_subcore>, window_params = [{transform_indices = #map}, {transform_indices = #map1}, {transform_indices = #map}, {transform_indices = #map}]} {
    "tpu.region"() ({
      %run_scoped3A_62 = tpu.sem_alloc : memref<!tpu.dma_semaphore, #tpu.memory_space<semaphore_mem>>
      %dma_start3A_63 = arith.constant 0 : i32
      %dma_start3A_64 = tpu.memref_slice %arg6[%dma_start3A_63] : memref<16xi32, #tpu.memory_space<vmem>> -> memref<4xi32, #tpu.memory_space<vmem>>
      %dma_start3A_65 = arith.constant 0 : i32
      %dma_start3A_66 = tpu.memref_slice %arg6[%dma_start3A_65] : memref<16xi32, #tpu.memory_space<vmem>> -> memref<4xi32, #tpu.memory_space<vmem>>
      tpu.enqueue_dma source(%arg3 : memref<4xi32, #tpu.memory_space<hbm>>) target(%dma_start3A_66 : memref<4xi32, #tpu.memory_space<vmem>>) target_semaphore(%run_scoped3A_62 : memref<!tpu.dma_semaphore, #tpu.memory_space<semaphore_mem>>)
      %dma_wait3A_67 = arith.constant 0 : i32
      %dma_wait3A_68 = tpu.memref_slice %arg6[%dma_wait3A_67] : memref<16xi32, #tpu.memory_space<vmem>> -> memref<4xi32, #tpu.memory_space<vmem>>
      %dma_wait3A_69 = arith.constant 0 : i32
      %dma_wait3A_70 = tpu.memref_slice %arg6[%dma_wait3A_69] : memref<16xi32, #tpu.memory_space<vmem>> -> memref<4xi32, #tpu.memory_space<vmem>>
      tpu.wait_dma2 semaphore(%run_scoped3A_62 : memref<!tpu.dma_semaphore, #tpu.memory_space<semaphore_mem>>) src(%arg3 : memref<4xi32, #tpu.memory_space<hbm>>) dst(%dma_wait3A_70 : memref<4xi32, #tpu.memory_space<vmem>>)
      tpu.yield
    }) : () -> ()
    %iota3A = tpu.iota {dimensions = array<i32: 0>} : vector<16xi32>
    %lt3A = arith.constant 4 : i32
    %lt3A_0 = vector.broadcast %lt3A : i32 to vector<16xi32>
    %lt3A_1 = arith.cmpi slt, %iota3A, %lt3A_0 : vector<16xi32>
    %mul3A = arith.constant 4096 : i32
    %mul3A_2 = vector.broadcast %mul3A : i32 to vector<16xi32>
    %mul3A_3 = arith.muli %iota3A, %mul3A_2 : vector<16xi32>
    %get3A = arith.constant 0 : index
    %get3A_4 = tpu.vector_load %arg6[%get3A] {strides = array<i32>} : memref<16xi32, #tpu.memory_space<vmem>>, vector<16xi32>,
    %add3A = arith.addi %mul3A_3, %get3A_4 : vector<16xi32>
    %jit3A = arith.constant 0 : i32
    %broadcast_in_dim3A = vector.broadcast %jit3A : i32 to vector<16xi32>
    %select_n3A = arith.select %lt3A_1, %add3A, %broadcast_in_dim3A : vector<16xi1>, vector<16xi32>
    %swap3A = arith.constant 0 : index
    %swap3A_5 = tpu.vector_load %arg6[%swap3A] {strides = array<i32>} : memref<16xi32, #tpu.memory_space<vmem>>, vector<16xi32>,
    tpu.vector_store %arg6[%swap3A], %select_n3A {strides = array<i32>} : memref<16xi32, #tpu.memory_space<vmem>>, vector<16xi32>,
    %dma_start3A = arith.constant 0 : i32
    %dma_start3A_6 = arith.constant 0 : i32
    %dma_start3A_7 = tpu.memref_slice %arg2[%dma_start3A, %dma_start3A_6] : memref<16384x2048xf32, #tpu.memory_space<hbm>> -> memref<16384x2048xf32, #tpu.memory_space<hbm>>
    tpu.enqueue_indirect_dma source(%dma_start3A_7 : memref<16384x2048xf32, #tpu.memory_space<hbm>>) target(%arg7 : memref<16x2048xf32, #tpu.memory_space<vmem>>) offsets(%arg6 : memref<16xi32, #tpu.memory_space<vmem>>) semaphore(%arg10 : memref<!tpu.dma_semaphore, #tpu.memory_space<semaphore_mem>>)
    %dma_wait3A = arith.constant 0 : i32
    %dma_wait3A_8 = arith.constant 0 : i32
    %dma_wait3A_9 = tpu.memref_slice %arg2[%dma_wait3A, %dma_wait3A_8] : memref<16384x2048xf32, #tpu.memory_space<hbm>> -> memref<16384x2048xf32, #tpu.memory_space<hbm>>
    tpu.wait_indirect_dma semaphore(%arg10 : memref<!tpu.dma_semaphore, #tpu.memory_space<semaphore_mem>>) src(%dma_wait3A_9 : memref<16384x2048xf32, #tpu.memory_space<hbm>>) dst(%arg7 : memref<16x2048xf32, #tpu.memory_space<vmem>>)
    %run_scoped3A = arith.constant 1234 : i32
    "tpu.region"() ({
      %run_scoped3A_62 = tpu.sem_alloc : memref<!tpu.dma_semaphore, #tpu.memory_space<semaphore_mem>>
      %dma_start3A_63 = arith.constant 0 : i32
      %dma_start3A_64 = tpu.memref_slice %arg4[%run_scoped3A, %dma_start3A_63] : memref<32000x2048xf32, #tpu.memory_space<hbm>> -> memref<1x2048xf32, #tpu.memory_space<hbm>>
      %dma_start3A_65 = tpu.memref_squeeze %dma_start3A_64 : memref<1x2048xf32, #tpu.memory_space<hbm>> -> memref<2048xf32, #tpu.memory_space<hbm>>
      %dma_start3A_66 = arith.constant 0 : i32
      %dma_start3A_67 = tpu.memref_slice %arg4[%run_scoped3A, %dma_start3A_66] : memref<32000x2048xf32, #tpu.memory_space<hbm>> -> memref<1x2048xf32, #tpu.memory_space<hbm>>
      %dma_start3A_68 = tpu.memref_squeeze %dma_start3A_67 : memref<1x2048xf32, #tpu.memory_space<hbm>> -> memref<2048xf32, #tpu.memory_space<hbm>>
      tpu.enqueue_dma source(%dma_start3A_68 : memref<2048xf32, #tpu.memory_space<hbm>>) target(%arg8 : memref<2048xf32, #tpu.memory_space<vmem>>) target_semaphore(%run_scoped3A_62 : memref<!tpu.dma_semaphore, #tpu.memory_space<semaphore_mem>>)
      %dma_wait3A_69 = arith.constant 0 : i32
      %dma_wait3A_70 = tpu.memref_slice %arg4[%run_scoped3A, %dma_wait3A_69] : memref<32000x2048xf32, #tpu.memory_space<hbm>> -> memref<1x2048xf32, #tpu.memory_space<hbm>>
      %dma_wait3A_71 = tpu.memref_squeeze %dma_wait3A_70 : memref<1x2048xf32, #tpu.memory_space<hbm>> -> memref<2048xf32, #tpu.memory_space<hbm>>
      %dma_wait3A_72 = arith.constant 0 : i32
      %dma_wait3A_73 = tpu.memref_slice %arg4[%run_scoped3A, %dma_wait3A_72] : memref<32000x2048xf32, #tpu.memory_space<hbm>> -> memref<1x2048xf32, #tpu.memory_space<hbm>>
      %dma_wait3A_74 = tpu.memref_squeeze %dma_wait3A_73 : memref<1x2048xf32, #tpu.memory_space<hbm>> -> memref<2048xf32, #tpu.memory_space<hbm>>
      tpu.wait_dma2 semaphore(%run_scoped3A_62 : memref<!tpu.dma_semaphore, #tpu.memory_space<semaphore_mem>>) src(%dma_wait3A_74 : memref<2048xf32, #tpu.memory_space<hbm>>) dst(%arg8 : memref<2048xf32, #tpu.memory_space<vmem>>)
      tpu.yield
    }) : () -> ()
    %broadcast_in_dim3A_10 = arith.constant 0.000000e+00 : f32
    %broadcast_in_dim3A_11 = vector.broadcast %broadcast_in_dim3A_10 : f32 to vector<16xf32>
    %scan3A = arith.constant 0 : i32
    %scan3A_12 = arith.constant 128 : i32
    %scan3A_13 = arith.addi %scan3A, %scan3A_12 : i32
    %scan3A_14 = arith.constant 1 : i32
    %scan3A_15 = scf.for %scan3A_62 = %scan3A to %scan3A_13 step %scan3A_14 iter_args(%scan3A_63 = %broadcast_in_dim3A_11) -> (vector<16xf32>)  : i32 {
      %mul3A_64 = arith.constant 16 : i32
      %mul3A_65 = arith.muli %scan3A_62, %mul3A_64 : i32
      %get3A_66 = arith.index_cast %mul3A_65 : i32 to index
      %get3A_67 = tpu.vector_load %arg8[%get3A_66] {strides = array<i32>} : memref<2048xf32, #tpu.memory_space<vmem>>, vector<16xf32>,
      %mul3A_68 = arith.mulf %get3A_67, %get3A_67 : vector<16xf32>
      %add3A_69 = arith.addf %scan3A_63, %mul3A_68 : vector<16xf32>
      scf.yield %add3A_69 : vector<16xf32>
    }
    %scan3A_16 = arith.constant 128 : i32
    %reduce_sum3A = arith.constant true
    %reduce_sum3A_17 = vector.broadcast %reduce_sum3A : i1 to vector<16xi1>
    %reduce_sum3A_18 = tpu.scan <sum>, %scan3A_15 masked %reduce_sum3A_17 : vector<16xf32>, vector<16xi1> -> vector<16xf32>
    %reduce_sum3A_19 = vector.extract %reduce_sum3A_18[15] : f32 from vector<16xf32>
    %broadcast_in_dim3A_20 = vector.broadcast %reduce_sum3A_19 : f32 to vector<16xf32>
    %max3A = arith.constant 1.000000e-24 : f32
    %max3A_21 = vector.broadcast %max3A : f32 to vector<16xf32>
    %max3A_22 = arith.maximumf %broadcast_in_dim3A_20, %max3A_21 : vector<16xf32>
    %bitcast3A = vector.bitcast %max3A_22 : vector<16xf32> to vector<16xi32>
    %shift_right_arithmetic3A = arith.constant 1 : i32
    %shift_right_arithmetic3A_23 = vector.broadcast %shift_right_arithmetic3A : i32 to vector<16xi32>
    %shift_right_arithmetic3A_24 = arith.shrsi %bitcast3A, %shift_right_arithmetic3A_23 : vector<16xi32>
    %sub3A = arith.constant 1597463007 : i32
    %sub3A_25 = vector.broadcast %sub3A : i32 to vector<16xi32>
    %sub3A_26 = arith.subi %sub3A_25, %shift_right_arithmetic3A_24 : vector<16xi32>
    %bitcast3A_27 = vector.bitcast %sub3A_26 : vector<16xi32> to vector<16xf32>
    %mul3A_28 = arith.constant 5.000000e-01 : f32
    %mul3A_29 = vector.broadcast %mul3A_28 : f32 to vector<16xf32>
    %mul3A_30 = arith.mulf %mul3A_29, %max3A_22 : vector<16xf32>
    %mul3A_31 = arith.mulf %mul3A_30, %bitcast3A_27 : vector<16xf32>
    %mul3A_32 = arith.mulf %mul3A_31, %bitcast3A_27 : vector<16xf32>
    %sub3A_33 = arith.constant 1.500000e+00 : f32
    %sub3A_34 = vector.broadcast %sub3A_33 : f32 to vector<16xf32>
    %sub3A_35 = arith.subf %sub3A_34, %mul3A_32 : vector<16xf32>
    %mul3A_36 = arith.mulf %bitcast3A_27, %sub3A_35 : vector<16xf32>
    %mul3A_37 = arith.constant 5.000000e-01 : f32
    %mul3A_38 = vector.broadcast %mul3A_37 : f32 to vector<16xf32>
    %mul3A_39 = arith.mulf %mul3A_38, %max3A_22 : vector<16xf32>
    %mul3A_40 = arith.mulf %mul3A_39, %mul3A_36 : vector<16xf32>
    %mul3A_41 = arith.mulf %mul3A_40, %mul3A_36 : vector<16xf32>
    %sub3A_42 = arith.constant 1.500000e+00 : f32
    %sub3A_43 = vector.broadcast %sub3A_42 : f32 to vector<16xf32>
    %sub3A_44 = arith.subf %sub3A_43, %mul3A_41 : vector<16xf32>
    %mul3A_45 = arith.mulf %mul3A_36, %sub3A_44 : vector<16xf32>
    %mul3A_46 = arith.constant 5.000000e-01 : f32
    %mul3A_47 = vector.broadcast %mul3A_46 : f32 to vector<16xf32>
    %mul3A_48 = arith.mulf %mul3A_47, %max3A_22 : vector<16xf32>
    %mul3A_49 = arith.mulf %mul3A_48, %mul3A_45 : vector<16xf32>
    %mul3A_50 = arith.mulf %mul3A_49, %mul3A_45 : vector<16xf32>
    %sub3A_51 = arith.constant 1.500000e+00 : f32
    %sub3A_52 = vector.broadcast %sub3A_51 : f32 to vector<16xf32>
    %sub3A_53 = arith.subf %sub3A_52, %mul3A_50 : vector<16xf32>
    %mul3A_54 = arith.mulf %mul3A_45, %sub3A_53 : vector<16xf32>
    %scan3A_55 = arith.constant 0 : i32
    %scan3A_56 = arith.constant 0 : i32
    %scan3A_57 = arith.constant 4 : i32
    %scan3A_58 = arith.addi %scan3A_56, %scan3A_57 : i32
    %scan3A_59 = arith.constant 1 : i32
    %scan3A_60 = scf.for %scan3A_62 = %scan3A_56 to %scan3A_58 step %scan3A_59 iter_args(%scan3A_63 = %scan3A_55) -> (i32)  : i32 {
      %broadcast_in_dim3A_64 = arith.constant 0.000000e+00 : f32
      %broadcast_in_dim3A_65 = vector.broadcast %broadcast_in_dim3A_64 : f32 to vector<16xf32>
      %scan3A_66 = arith.constant 0 : i32
      %scan3A_67 = arith.constant 128 : i32
      %scan3A_68 = arith.addi %scan3A_66, %scan3A_67 : i32
      %scan3A_69 = arith.constant 1 : i32
      %scan3A_70 = scf.for %scan3A_131 = %scan3A_66 to %scan3A_68 step %scan3A_69 iter_args(%scan3A_132 = %broadcast_in_dim3A_65) -> (vector<16xf32>)  : i32 {
        %mul3A_133 = arith.constant 16 : i32
        %mul3A_134 = arith.muli %scan3A_131, %mul3A_133 : i32
        %get3A_135 = arith.index_cast %scan3A_62 : i32 to index
        %get3A_136 = arith.index_cast %mul3A_134 : i32 to index
        %get3A_137 = tpu.vector_load %arg7[%get3A_135, %get3A_136] {strides = array<i32>} : memref<16x2048xf32, #tpu.memory_space<vmem>>, vector<16xf32>,
        %mul3A_138 = arith.mulf %get3A_137, %get3A_137 : vector<16xf32>
        %add3A_139 = arith.addf %scan3A_132, %mul3A_138 : vector<16xf32>
        scf.yield %add3A_139 : vector<16xf32>
      }
      %scan3A_71 = arith.constant 128 : i32
      %reduce_sum3A_72 = arith.constant true
      %reduce_sum3A_73 = vector.broadcast %reduce_sum3A_72 : i1 to vector<16xi1>
      %reduce_sum3A_74 = tpu.scan <sum>, %scan3A_70 masked %reduce_sum3A_73 : vector<16xf32>, vector<16xi1> -> vector<16xf32>
      %reduce_sum3A_75 = vector.extract %reduce_sum3A_74[15] : f32 from vector<16xf32>
      %broadcast_in_dim3A_76 = vector.broadcast %reduce_sum3A_75 : f32 to vector<16xf32>
      %mul3A_77 = arith.constant 4.8828125E-4 : f32
      %mul3A_78 = vector.broadcast %mul3A_77 : f32 to vector<16xf32>
      %mul3A_79 = arith.mulf %broadcast_in_dim3A_76, %mul3A_78 : vector<16xf32>
      %max3A_80 = arith.constant 1.000000e-30 : f32
      %max3A_81 = vector.broadcast %max3A_80 : f32 to vector<16xf32>
      %max3A_82 = arith.maximumf %mul3A_79, %max3A_81 : vector<16xf32>
      %bitcast3A_83 = vector.bitcast %max3A_82 : vector<16xf32> to vector<16xi32>
      %shift_right_arithmetic3A_84 = arith.constant 1 : i32
      %shift_right_arithmetic3A_85 = vector.broadcast %shift_right_arithmetic3A_84 : i32 to vector<16xi32>
      %shift_right_arithmetic3A_86 = arith.shrsi %bitcast3A_83, %shift_right_arithmetic3A_85 : vector<16xi32>
      %sub3A_87 = arith.constant 1597463007 : i32
      %sub3A_88 = vector.broadcast %sub3A_87 : i32 to vector<16xi32>
      %sub3A_89 = arith.subi %sub3A_88, %shift_right_arithmetic3A_86 : vector<16xi32>
      %bitcast3A_90 = vector.bitcast %sub3A_89 : vector<16xi32> to vector<16xf32>
      %mul3A_91 = arith.constant 5.000000e-01 : f32
      %mul3A_92 = vector.broadcast %mul3A_91 : f32 to vector<16xf32>
      %mul3A_93 = arith.mulf %mul3A_92, %max3A_82 : vector<16xf32>
      %mul3A_94 = arith.mulf %mul3A_93, %bitcast3A_90 : vector<16xf32>
      %mul3A_95 = arith.mulf %mul3A_94, %bitcast3A_90 : vector<16xf32>
      %sub3A_96 = arith.constant 1.500000e+00 : f32
      %sub3A_97 = vector.broadcast %sub3A_96 : f32 to vector<16xf32>
      %sub3A_98 = arith.subf %sub3A_97, %mul3A_95 : vector<16xf32>
      %mul3A_99 = arith.mulf %bitcast3A_90, %sub3A_98 : vector<16xf32>
      %mul3A_100 = arith.constant 5.000000e-01 : f32
      %mul3A_101 = vector.broadcast %mul3A_100 : f32 to vector<16xf32>
      %mul3A_102 = arith.mulf %mul3A_101, %max3A_82 : vector<16xf32>
      %mul3A_103 = arith.mulf %mul3A_102, %mul3A_99 : vector<16xf32>
      %mul3A_104 = arith.mulf %mul3A_103, %mul3A_99 : vector<16xf32>
      %sub3A_105 = arith.constant 1.500000e+00 : f32
      %sub3A_106 = vector.broadcast %sub3A_105 : f32 to vector<16xf32>
      %sub3A_107 = arith.subf %sub3A_106, %mul3A_104 : vector<16xf32>
      %mul3A_108 = arith.mulf %mul3A_99, %sub3A_107 : vector<16xf32>
      %mul3A_109 = arith.constant 5.000000e-01 : f32
      %mul3A_110 = vector.broadcast %mul3A_109 : f32 to vector<16xf32>
      %mul3A_111 = arith.mulf %mul3A_110, %max3A_82 : vector<16xf32>
      %mul3A_112 = arith.mulf %mul3A_111, %mul3A_108 : vector<16xf32>
      %mul3A_113 = arith.mulf %mul3A_112, %mul3A_108 : vector<16xf32>
      %sub3A_114 = arith.constant 1.500000e+00 : f32
      %sub3A_115 = vector.broadcast %sub3A_114 : f32 to vector<16xf32>
      %sub3A_116 = arith.subf %sub3A_115, %mul3A_113 : vector<16xf32>
      %mul3A_117 = arith.mulf %mul3A_108, %sub3A_116 : vector<16xf32>
      %mul3A_118 = arith.mulf %max3A_82, %mul3A_117 : vector<16xf32>
      %mul3A_119 = arith.constant 3.000000e-01 : f32
      %mul3A_120 = vector.broadcast %mul3A_119 : f32 to vector<16xf32>
      %mul3A_121 = arith.mulf %mul3A_118, %mul3A_120 : vector<16xf32>
      %mul3A_122 = arith.mulf %mul3A_121, %mul3A_54 : vector<16xf32>
      %scan3A_123 = arith.constant 0 : i32
      %scan3A_124 = arith.constant 0 : i32
      %scan3A_125 = arith.constant 128 : i32
      %scan3A_126 = arith.addi %scan3A_124, %scan3A_125 : i32
      %scan3A_127 = arith.constant 1 : i32
      %scan3A_128 = scf.for %scan3A_131 = %scan3A_124 to %scan3A_126 step %scan3A_127 iter_args(%scan3A_132 = %scan3A_123) -> (i32)  : i32 {
        %mul3A_133 = arith.constant 16 : i32
        %mul3A_134 = arith.muli %scan3A_131, %mul3A_133 : i32
        %get3A_135 = arith.index_cast %mul3A_134 : i32 to index
        %get3A_136 = tpu.vector_load %arg8[%get3A_135] {strides = array<i32>} : memref<2048xf32, #tpu.memory_space<vmem>>, vector<16xf32>,
        %mul3A_137 = arith.mulf %get3A_136, %mul3A_122 : vector<16xf32>
        %mul3A_138 = arith.constant 16 : i32
        %mul3A_139 = arith.muli %scan3A_131, %mul3A_138 : i32
        %swap3A_140 = arith.index_cast %scan3A_62 : i32 to index
        %swap3A_141 = arith.index_cast %mul3A_139 : i32 to index
        %swap3A_142 = tpu.vector_load %arg9[%swap3A_140, %swap3A_141] {strides = array<i32>} : memref<4x2048xf32, #tpu.memory_space<vmem>>, vector<16xf32>,
        tpu.vector_store %arg9[%swap3A_140, %swap3A_141], %mul3A_137 {strides = array<i32>} : memref<4x2048xf32, #tpu.memory_space<vmem>>, vector<16xf32>,
        %scan3A_143 = arith.constant 0 : i32
        scf.yield %scan3A_143 : i32
      }
      %scan3A_129 = arith.constant 128 : i32
      %scan3A_130 = arith.constant 0 : i32
      scf.yield %scan3A_130 : i32
    }
    %scan3A_61 = arith.constant 4 : i32
    "tpu.region"() ({
      %run_scoped3A_62 = tpu.sem_alloc : memref<!tpu.dma_semaphore, #tpu.memory_space<semaphore_mem>>
      tpu.enqueue_dma source(%arg9 : memref<4x2048xf32, #tpu.memory_space<vmem>>) target(%arg5 : memref<4x2048xf32, #tpu.memory_space<hbm>>) target_semaphore(%run_scoped3A_62 : memref<!tpu.dma_semaphore, #tpu.memory_space<semaphore_mem>>)
      tpu.wait_dma2 semaphore(%run_scoped3A_62 : memref<!tpu.dma_semaphore, #tpu.memory_space<semaphore_mem>>) src(%arg9 : memref<4x2048xf32, #tpu.memory_space<vmem>>) dst(%arg5 : memref<4x2048xf32, #tpu.memory_space<hbm>>)
      tpu.yield
    }) : () -> ()
    return
  }
}

module attributes {stable_mosaic.version = 14 : i64} {
  func.func @body(%arg0: i32, %arg1: memref<4xi32, #tpu.memory_space<smem>>, %arg2: memref<8x2048xf32, #tpu.memory_space<vmem>>, %arg3: memref<4x2048xf32, #tpu.memory_space<vmem>>, %arg4: memref<8x2048xf32, #tpu.memory_space<vmem>>) attributes {dimension_semantics = [#tpu.dimension_semantics<arbitrary>], iteration_bounds = array<i64: 4>, scalar_prefetch = 1 : i64, scratch_operands = 0 : i64, tpu.core_type = #tpu.core_type<tc>, window_params = [{transform_indices = @transform_0, window_bounds = array<i64: 8, 2048>}, {pipeline_mode = #tpu.pipeline_mode<synchronous>, transform_indices = @transform_1, window_bounds = array<i64: 4, 2048>}, {transform_indices = @transform_2, window_bounds = array<i64: 8, 2048>}]} {
    %get3A = arith.index_cast %arg0 : i32 to index
    %get3A_0 = memref.load %arg1[%get3A] : memref<4xi32, #tpu.memory_space<smem>>
    %mul3A = arith.constant 4096 : i32
    %mul3A_1 = arith.muli %arg0, %mul3A : i32
    %add3A = arith.addi %get3A_0, %mul3A_1 : i32
    %jit3A = arith.constant 8 : i32
    %div3A = arith.divsi %add3A, %jit3A : i32
    %sign3A = arith.constant 0 : i32
    %sign3A_2 = arith.cmpi sgt, %add3A, %sign3A : i32
    %sign3A_3 = arith.extui %sign3A_2 : i1 to i32
    %sign3A_4 = arith.constant 0 : i32
    %sign3A_5 = arith.cmpi slt, %add3A, %sign3A_4 : i32
    %sign3A_6 = arith.extui %sign3A_5 : i1 to i32
    %sign3A_7 = arith.subi %sign3A_3, %sign3A_6 : i32
    %sign3A_8 = arith.constant 0 : i32
    %sign3A_9 = arith.cmpi sgt, %jit3A, %sign3A_8 : i32
    %sign3A_10 = arith.extui %sign3A_9 : i1 to i32
    %sign3A_11 = arith.constant 0 : i32
    %sign3A_12 = arith.cmpi slt, %jit3A, %sign3A_11 : i32
    %sign3A_13 = arith.extui %sign3A_12 : i1 to i32
    %sign3A_14 = arith.subi %sign3A_10, %sign3A_13 : i32
    %ne3A = arith.cmpi ne, %sign3A_7, %sign3A_14 : i32
    %rem3A = arith.remsi %add3A, %jit3A : i32
    %ne3A_15 = arith.constant 0 : i32
    %ne3A_16 = arith.cmpi ne, %rem3A, %ne3A_15 : i32
    %and3A = arith.andi %ne3A, %ne3A_16 : i1
    %sub3A = arith.constant 1 : i32
    %sub3A_17 = arith.subi %div3A, %sub3A : i32
    %select_n3A = arith.select %and3A, %sub3A_17, %div3A : i32
    %mul3A_18 = arith.constant 8 : i32
    %mul3A_19 = arith.muli %select_n3A, %mul3A_18 : i32
    %sub3A_20 = arith.subi %add3A, %mul3A_19 : i32
    %get3A_21 = arith.constant 0 : index
    %get3A_22 = arith.constant 0 : index
    %get3A_23 = vector.load %arg2[%get3A_21, %get3A_22] : memref<8x2048xf32, #tpu.memory_space<vmem>>, vector<8x2048xf32>
    %swap3A = arith.constant 0 : index
    %swap3A_24 = arith.constant 0 : index
    %swap3A_25 = vector.load %arg4[%swap3A, %swap3A_24] : memref<8x2048xf32, #tpu.memory_space<vmem>>, vector<8x2048xf32>
    tpu.vector_store %arg4[%swap3A, %swap3A_24], %get3A_23 {strides = array<i32>} : memref<8x2048xf32, #tpu.memory_space<vmem>>, vector<8x2048xf32>,
    %get3A_26 = arith.index_cast %sub3A_20 : i32 to index
    %get3A_27 = arith.constant 0 : index
    %get3A_28 = vector.load %arg4[%get3A_26, %get3A_27] : memref<8x2048xf32, #tpu.memory_space<vmem>>, vector<1x2048xf32>
    %get3A_29 = arith.index_cast %arg0 : i32 to index
    %get3A_30 = arith.constant 0 : index
    %get3A_31 = vector.load %arg3[%get3A_29, %get3A_30] : memref<4x2048xf32, #tpu.memory_space<vmem>>, vector<1x2048xf32>
    %add3A_32 = arith.addf %get3A_28, %get3A_31 : vector<1x2048xf32>
    %swap3A_33 = arith.index_cast %sub3A_20 : i32 to index
    %swap3A_34 = arith.constant 0 : index
    %swap3A_35 = vector.load %arg4[%swap3A_33, %swap3A_34] : memref<8x2048xf32, #tpu.memory_space<vmem>>, vector<1x2048xf32>
    tpu.vector_store %arg4[%swap3A_33, %swap3A_34], %add3A_32 {strides = array<i32>} : memref<8x2048xf32, #tpu.memory_space<vmem>>, vector<1x2048xf32>,
    return
  }
  func.func @transform_0(%arg0: i32, %arg1: memref<4xi32, #tpu.memory_space<smem>>) -> (i32, i32) {
    %get3A = arith.index_cast %arg0 : i32 to index
    %get3A_0 = memref.load %arg1[%get3A] : memref<4xi32, #tpu.memory_space<smem>>
    %mul3A = arith.constant 4096 : i32
    %mul3A_1 = arith.muli %arg0, %mul3A : i32
    %add3A = arith.addi %get3A_0, %mul3A_1 : i32
    %jit3A = arith.constant 8 : i32
    %div3A = arith.divsi %add3A, %jit3A : i32
    %sign3A = arith.constant 0 : i32
    %sign3A_2 = arith.cmpi sgt, %add3A, %sign3A : i32
    %sign3A_3 = arith.extui %sign3A_2 : i1 to i32
    %sign3A_4 = arith.constant 0 : i32
    %sign3A_5 = arith.cmpi slt, %add3A, %sign3A_4 : i32
    %sign3A_6 = arith.extui %sign3A_5 : i1 to i32
    %sign3A_7 = arith.subi %sign3A_3, %sign3A_6 : i32
    %sign3A_8 = arith.constant 0 : i32
    %sign3A_9 = arith.cmpi sgt, %jit3A, %sign3A_8 : i32
    %sign3A_10 = arith.extui %sign3A_9 : i1 to i32
    %sign3A_11 = arith.constant 0 : i32
    %sign3A_12 = arith.cmpi slt, %jit3A, %sign3A_11 : i32
    %sign3A_13 = arith.extui %sign3A_12 : i1 to i32
    %sign3A_14 = arith.subi %sign3A_10, %sign3A_13 : i32
    %ne3A = arith.cmpi ne, %sign3A_7, %sign3A_14 : i32
    %rem3A = arith.remsi %add3A, %jit3A : i32
    %ne3A_15 = arith.constant 0 : i32
    %ne3A_16 = arith.cmpi ne, %rem3A, %ne3A_15 : i32
    %and3A = arith.andi %ne3A, %ne3A_16 : i1
    %sub3A = arith.constant 1 : i32
    %sub3A_17 = arith.subi %div3A, %sub3A : i32
    %select_n3A = arith.select %and3A, %sub3A_17, %div3A : i32
    %c0_i32 = arith.constant 0 : i32
    %c0_i32_18 = arith.constant 0 : i32
    return %select_n3A, %c0_i32 : i32, i32
  }
  func.func @transform_1(%arg0: i32, %arg1: memref<4xi32, #tpu.memory_space<smem>>) -> (i32, i32) {
    %c0_i32 = arith.constant 0 : i32
    %c0_i32_0 = arith.constant 0 : i32
    %c0_i32_1 = arith.constant 0 : i32
    return %c0_i32, %c0_i32_0 : i32, i32
  }
  func.func @transform_2(%arg0: i32, %arg1: memref<4xi32, #tpu.memory_space<smem>>) -> (i32, i32) {
    %get3A = arith.index_cast %arg0 : i32 to index
    %get3A_0 = memref.load %arg1[%get3A] : memref<4xi32, #tpu.memory_space<smem>>
    %mul3A = arith.constant 4096 : i32
    %mul3A_1 = arith.muli %arg0, %mul3A : i32
    %add3A = arith.addi %get3A_0, %mul3A_1 : i32
    %jit3A = arith.constant 8 : i32
    %div3A = arith.divsi %add3A, %jit3A : i32
    %sign3A = arith.constant 0 : i32
    %sign3A_2 = arith.cmpi sgt, %add3A, %sign3A : i32
    %sign3A_3 = arith.extui %sign3A_2 : i1 to i32
    %sign3A_4 = arith.constant 0 : i32
    %sign3A_5 = arith.cmpi slt, %add3A, %sign3A_4 : i32
    %sign3A_6 = arith.extui %sign3A_5 : i1 to i32
    %sign3A_7 = arith.subi %sign3A_3, %sign3A_6 : i32
    %sign3A_8 = arith.constant 0 : i32
    %sign3A_9 = arith.cmpi sgt, %jit3A, %sign3A_8 : i32
    %sign3A_10 = arith.extui %sign3A_9 : i1 to i32
    %sign3A_11 = arith.constant 0 : i32
    %sign3A_12 = arith.cmpi slt, %jit3A, %sign3A_11 : i32
    %sign3A_13 = arith.extui %sign3A_12 : i1 to i32
    %sign3A_14 = arith.subi %sign3A_10, %sign3A_13 : i32
    %ne3A = arith.cmpi ne, %sign3A_7, %sign3A_14 : i32
    %rem3A = arith.remsi %add3A, %jit3A : i32
    %ne3A_15 = arith.constant 0 : i32
    %ne3A_16 = arith.cmpi ne, %rem3A, %ne3A_15 : i32
    %and3A = arith.andi %ne3A, %ne3A_16 : i1
    %sub3A = arith.constant 1 : i32
    %sub3A_17 = arith.subi %div3A, %sub3A : i32
    %select_n3A = arith.select %and3A, %sub3A_17, %div3A : i32
    %c0_i32 = arith.constant 0 : i32
    %c0_i32_18 = arith.constant 0 : i32
    return %select_n3A, %c0_i32 : i32, i32
  }
}

module attributes {stable_mosaic.version = 14 : i64} {
  func.func @body(%arg0: i32, %arg1: memref<1024x2048xf32, #tpu.memory_space<vmem>>, %arg2: memref<1024x2048xf32, #tpu.memory_space<vmem>>) attributes {dimension_semantics = [#tpu.dimension_semantics<arbitrary>], iteration_bounds = array<i64: 16>, scalar_prefetch = 0 : i64, scratch_operands = 0 : i64, tpu.core_type = #tpu.core_type<tc>, window_params = [{transform_indices = @transform_0, window_bounds = array<i64: 1024, 2048>}, {transform_indices = @transform_1, window_bounds = array<i64: 1024, 2048>}]} {
    %get3A = arith.constant 0 : index
    %get3A_0 = arith.constant 0 : index
    %get3A_1 = vector.load %arg1[%get3A, %get3A_0] : memref<1024x2048xf32, #tpu.memory_space<vmem>>, vector<1024x2048xf32>
    %swap3A = arith.constant 0 : index
    %swap3A_2 = arith.constant 0 : index
    %swap3A_3 = vector.load %arg2[%swap3A, %swap3A_2] : memref<1024x2048xf32, #tpu.memory_space<vmem>>, vector<1024x2048xf32>
    tpu.vector_store %arg2[%swap3A, %swap3A_2], %get3A_1 {strides = array<i32>} : memref<1024x2048xf32, #tpu.memory_space<vmem>>, vector<1024x2048xf32>,
    return
  }
  func.func @transform_0(%arg0: i32) -> (i32, i32) {
    %c0_i32 = arith.constant 0 : i32
    %c0_i32_0 = arith.constant 0 : i32
    return %arg0, %c0_i32 : i32, i32
  }
  func.func @transform_1(%arg0: i32) -> (i32, i32) {
    %c0_i32 = arith.constant 0 : i32
    %c0_i32_0 = arith.constant 0 : i32
    return %arg0, %c0_i32 : i32, i32
  }
}

</mosaic_0001>

<sc_bundles>
// kernel: kernel.5.cloned.1.call-start
scs
__scs_entry_jumppad:
0x0: {  	(pc) =	sbr.rel $0x88, $3  }
0x1: {  	(tag) =	ssettag $0x0;
	lr =	simm.s32 $0x1  }
0x2: {  	[smem:$0x3F9E] =	sst lr;
	_ =	strace $0xD0000000  }
0x3: {  	_ = 	snop  }
0x4: {  	_ = 	snop  }
0x5: {  	_ = 	snop  }
0x6: {  	_ = 	snop  }
0x7: {  	_ = 	snop  }
__scs_overlays_trampoline_lowered:
0x8: {  	[smem:$0x3FAD] =	sst s0  }
0x9: {  	[smem:$0x3FAE] =	sst s1  }
0xa: {  	[smem:$0x3FAF] =	sst s2  }
0xb: {  	[smem:$0x3FB0] =	sst s3  }
0xc: {  	[smem:$0x3FB1] =	sst s4  }
0xd: {  	[smem:$0x3FB2] =	sst s5  }
0xe: {  	[smem:$0x3FB3] =	sst s6  }
0xf: {  	[smem:$0x3FB4] =	sst s7  }
0x10: {  	[smem:$0x3FB5] =	sst s8  }
0x11: {  	[smem:$0x3FB6] =	sst s9;
	s0 =	simm.s32 @!p0 $0x0  }
0x12: {  	s1 =	sld [smem:$0x3F9C];
	s0 =	simm.s32 @p0 $0x1  }
0x13: {  	[smem:$0x3FB7] =	sst s0;
	s0 =	simm.s32 @!p1 $0x0  }
0x14: {  	s2 =	sld [smem:$0x3F9B];
	s0 =	simm.s32 @p1 $0x1  }
0x15: {  	[smem:$0x3FB8] =	sst s0;
	s0 =	simm.s32 @!p2 $0x0  }
0x16: {  	s3 =	sld [smem:$0x3FDB];
	s0 =	simm.s32 @p2 $0x1  }
0x17: {  	s4 =	simm.s32 $0x1BF5;
	[smem:$0x3FBA] =	sst s0  }
0x18: {  	s0 =	sld [smem:$0x3F9D];
	_ =	swait.ge [sflag:s4], $0x0  }
0x19: {  	s7 =	sld [smem:$0x3F9E]  }
0x1a: {  	s8 =	sadd.s32 $0xFFFFE003, lr  }
0x1b: {  	s9 =	sadd.s32 $0xFFFFFEF7, lr;
	s5 =	simm.s32 $0xFFFFFFFF;
	p2 =	slt.u32 s8, $0xFFFFF086  }
0x1c: {  	p1 =	slt.u32 s9, $0xF7A;
	s5 =	simm.s32 @!p2 $0x0  }
0x1d: {  	s5 =	simm.s32 @p1 $0x1;
	p0 =	seq.s32 s7, s2  }
0x1e: {  	s7 =	smul.u32 @!p0 $0xF7A, s2;
	p2 =	seq.s32 @!p0 s5, $0x0  }
0x1f: {  	s9 =	smul.u32 $0xF7A, s1;
	s8 =	simm.s32 @!p0 $0x1BF5;
	p2 =	por !p2, p0  }
0x20: {  	[sflag:s8] =	ssyncset.s32 @!p0 $0xFFFFF086;
	s6 =	sadd.s32 @!p0 s3, s7;
	s7 =	simm.s32 @!p0 $0x108  }
0x21: {  	s3 =	sadd.s32 s3, s9;
	s6 =	sadd.s32 @!p0 $0x88, s6;
	s7 =	simm.s32 @p2 $0x1082  }
0x22: {  	[simem:s7], [sflag:s8] =	dma.local @!p0 [hbm:s6], $0xF7A  }
0x23: {  	s9 =	sor.u32 $0xD0000000, s2;
	s6 =	simm.s32 $0x108;
	_ =	swait.ge @!p0 [sflag:s8], $0x0  }
0x24: {  	s3 =	sadd.s32 $0x88, s3;
	s6 =	simm.s32 @!p1 $0x1082;
	[sflag:s4] =	ssyncset.s32 $0xFFFFF086  }
0x25: {  	[simem:s6], [sflag:s4] =	dma.local [hbm:s3], $0xF7A  }
0x26: {  	[smem:$0x3F9E] =	sst s1;
	(tag) =	ssettag s2;
	_ =	strace s9  }
0x27: {  	s1 =	sld [smem:$0x3FAE]  }
0x28: {  	s2 =	sld [smem:$0x3FAF]  }
0x29: {  	s4 =	sld [smem:$0x3FB1]  }
0x2a: {  	p0 =	seq.s32 s5, $0x0;
	s5 =	sld [smem:$0x3FB2]  }
0x2b: {  	s6 =	sld [smem:$0x3FB3]  }
0x2c: {  	s7 =	sld [smem:$0x3FB4]  }
0x2d: {  	s3 =	simm.s32 $0x108;
	s8 =	sld [smem:$0x3FB5]  }
0x2e: {  	s3 =	simm.s32 @!p0 $0x1082;
	s9 =	sld [smem:$0x3FB6]  }
0x2f: {  	lr =	sadd.s32 s0, s3;
	s0 =	sld [smem:$0x3FAD]  }
0x30: {  	s3 =	sld [smem:$0x3FB0]  }
0x31: {  	[smem:$0x3FB9] =	sst s10  }
0x32: {  	s10 =	sld [smem:$0x3FB7];
	_ =	sdelay $0x3  }
0x33: {  	p0 =	seq.s32 s10, $0x1;
	s10 =	sld [smem:$0x3FB9];
	_ =	sdelay $0x3  }
0x34: {  	[smem:$0x3FB9] =	sst s10  }
0x35: {  	s10 =	sld [smem:$0x3FB8];
	_ =	sdelay $0x3  }
0x36: {  	p1 =	seq.s32 s10, $0x1;
	s10 =	sld [smem:$0x3FB9];
	_ =	sdelay $0x3  }
0x37: {  	[smem:$0x3FB9] =	sst s10  }
0x38: {  	s10 =	sld [smem:$0x3FBA]  }
0x39: {  	_ = 	snop;
	(pc) =	sbr.ind lr, $3  }
0x3a: {  	_ = 	snop  }
0x3b: {  	_ = 	snop  }
0x3c: {  	p2 =	seq.s32 s10, $0x1;
	s10 =	sld [smem:$0x3FB9]  }
0x3d: {  	_ =	shalt  }
0x3e: {  	_ =	shalt  }
0x3f: {  	_ =	shalt  }
0x40: {  	_ =	shalt  }
0x41: {  	_ =	shalt  }
0x42: {  	_ =	shalt  }
0x43: {  	_ =	shalt  }
0x44: {  	_ =	shalt  }
0x45: {  	_ =	shalt  }
0x46: {  	_ =	shalt  }
0x47: {  	_ =	shalt  }
0x48: {  	_ =	shalt  }
0x49: {  	_ =	shalt  }
0x4a: {  	_ =	shalt  }
0x4b: {  	_ =	shalt  }
0x4c: {  	_ =	shalt  }
0x4d: {  	_ =	shalt  }
0x4e: {  	_ =	shalt  }
0x4f: {  	_ =	shalt  }
0x50: {  	_ =	shalt  }
0x51: {  	_ =	shalt  }
0x52: {  	_ =	shalt  }
0x53: {  	_ =	shalt  }
0x54: {  	_ =	shalt  }
0x55: {  	_ =	shalt  }
0x56: {  	_ =	shalt  }
0x57: {  	_ =	shalt  }
0x58: {  	_ =	shalt  }
0x59: {  	_ =	shalt  }
0x5a: {  	_ =	shalt  }
0x5b: {  	_ =	shalt  }
0x5c: {  	_ =	shalt  }
0x5d: {  	_ =	shalt  }
0x5e: {  	_ =	shalt  }
0x5f: {  	_ =	shalt  }
0x60: {  	_ =	shalt  }
0x61: {  	_ =	shalt  }
0x62: {  	_ =	shalt  }
0x63: {  	_ =	shalt  }
0x64: {  	_ =	shalt  }
0x65: {  	_ =	shalt  }
0x66: {  	_ =	shalt  }
0x67: {  	_ =	shalt  }
0x68: {  	_ =	shalt  }
0x69: {  	_ =	shalt  }
0x6a: {  	_ =	shalt  }
0x6b: {  	_ =	shalt  }
0x6c: {  	_ =	shalt  }
0x6d: {  	_ =	shalt  }
0x6e: {  	_ =	shalt  }
0x6f: {  	_ =	shalt  }
0x70: {  	_ =	shalt  }
0x71: {  	_ =	shalt  }
0x72: {  	_ =	shalt  }
0x73: {  	_ =	shalt  }
0x74: {  	_ =	shalt  }
0x75: {  	_ =	shalt  }
0x76: {  	_ =	shalt  }
0x77: {  	_ =	shalt  }
0x78: {  	_ =	shalt  }
0x79: {  	_ =	shalt  }
0x7a: {  	_ =	shalt  }
0x7b: {  	_ =	shalt  }
0x7c: {  	_ =	shalt  }
0x7d: {  	_ =	shalt  }
0x7e: {  	_ =	shalt  }
0x7f: {  	_ =	shalt  }
0x80: {  	_ =	shalt  }
0x81: {  	_ =	shalt  }
0x82: {  	_ =	shalt  }
0x83: {  	_ =	shalt  }
0x84: {  	_ =	shalt  }
0x85: {  	_ =	shalt  }
0x86: {  	_ =	shalt  }
0x87: {  	_ =	shalt  }
.Lfunc_end0:
.L_simem_size_0:
called_computation_lowered:
.L_overlay_start_0:
0x88: {  	s0 =	sld [smem:$0x3FD9]  }
0x89: {  	s1 =	sld [smem:$0x3FFE];
	_ =	sdelay $0x3  }
0x8a: {  	s0 =	sadd.s32 s1, s0  }
0x8b: {  	[smem:$0x3FC5] =	sst s0  }
0x8c: {  	_ = 	snop  }
0x8d: {  	s0 =	sld [smem:$0x3FC9]  }
0x8e: {  	s16 =	sld [smem:$0x3FC8]  }
0x8f: {  	s2 =	sld [smem:$0x3FC7];
	(tm) =	ssettm $0x1  }
0x90: {  	s3 =	sld [smem:$0x3FFB];
	_ =	sdelay $0x3  }
0x91: {  	_ =	strace s3  }
0x92: {  	s3 =	sld [smem:$0x3FFC];
	_ =	sdelay $0x3  }
0x93: {  	_ =	strace s3  }
0x94: {  	s3 =	sld [smem:$0x3FFD];
	_ =	sdelay $0x3  }
0x95: {  	_ =	strace s3  }
0x96: {  	_ =	strace $0x8FFFFFFF  }
0x97: {  	s17 =	sld [smem:$0x3FDB];
	_ =	sdelay $0x1  }
0x98: {  	s4 =	simm.s32 $_scs_section_size  }
0x99: {  	s5 =	simm.s32 $_size__tile_overlayer_lowered;
	s6 =	simm.s32 $_tile_overlayer_lowered  }
0x9a: {  	s20 =	simm.s32 $0x1BFF;
	s19 =	sshll.u32 s6, $0x1;
	s3 =	sadd.s32 s4, s17  }
0x9b: {  	s7 =	simm.s32 $0x0;
	s18 =	sshll.u32 s5, $0x1;
	s5 =	sadd.s32 s19, s3  }
0x9c: {  	[timem:s7], [sflag:s20] =	dma.local [hbm:s5], s18  }
0x9d: {  	_ =	swait.ge [sflag:s20], s18  }
0x9e: {  	s4 =	ssub.s32 $0x0, s18;
	[sflag:s20] =	ssyncset.done $0x0  }
0x9f: {  	[sflag:s20] =	ssyncadd.s32 s4;
	_ =	sdelay $0x1  }
0xa0: {  	s21 =	simm.s32 $0x1B8B  }
0xa1: {  	_ =	swait.ge [sflag:s21], $0x1  }
0xa2: {  	[sflag:s21] =	ssyncset.done $0x0  }
0xa3: {  	s23 =	simm.s32 $0x1B8E;
	s22 =	sld [smem:$0x3FFE];
	[sflag:s21] =	ssyncadd.s32 $0xFFFFFFFF  }
0xa4: {  	s24 =	simm.s32 $execute0_lowered;
	[smem:$0x3FD2] =	sst s23  }
0xa5: {  	s5 =	sshll.u32 s24, $0x1;
	_ =	strace $0x80000046;
	[dreg:$0x1] =	wrdreg $0xFFFFFFFF  }
0xa6: {  	s25 =	simm.s32 $_size_execute0_lowered;
	s3 =	sadd.s32 s3, s5;
	[dreg:$0x0] =	wrdreg $0x0  }
0xa7: {  	s5 =	sshll.u32 s25, $0x1;
	[dreg:$0x2] =	wrdreg s3  }
0xa8: {  	[dreg:$0x3] =	wrdreg s5  }
0xa9: {  	[dreg:$0x4] =	wrdreg $0xC0  }
0xaa: {  	_ =	task [dreg:s7], $0x5FFFF  }
0xab: {  	[dreg:$0x1] =	wrdreg $0xFFFFFFFF  }
0xac: {  	[dreg:$0x0] =	wrdreg $0x60  }
0xad: {  	[dreg:$0x2] =	wrdreg s0  }
0xae: {  	[dreg:$0x3] =	wrdreg s16  }
0xaf: {  	[dreg:$0x4] =	wrdreg s2  }
0xb0: {  	[dreg:$0x5] =	wrdreg s22  }
0xb1: {  	[dreg:$0x6] =	wrdreg $0x9  }
0xb2: {  	_ =	task.clear_ibuf [dreg:s7], $0x7FFFF;
	_ =	strace $0x90000046  }
0xb3: {  	s26 =	simm.s32 $0x9;
	_ =	strace $0x80000048  }
0xb4: {  	_ =	swait.ge [sflag:s26], $0x1  }
0xb5: {  	[sflag:s26] =	ssyncadd.s32 $0xFFFFFFFF  }
0xb6: {  	_ =	strace $0x90000048  }
0xb7: {  	_ =	sfence  }
0xb8: {  	s28 =	sld [smem:$0x0];
	_ =	sdelay $0x1  }
0xb9: {  	s29 =	srdreg.scid  }
0xba: {  	s30 =	sshll.u32 s29, $0xD;
	s31 =	sshrl.u32 s29, $0x2  }
0xbb: {  	s1 =	sand.u32 $0x1, s29;
	s2 =	sand.u32 $0x4000, s30;
	s0 =	sadd.s32 s31, s28  }
0xbc: {  	s1 =	sor.u32 s2, s1;
	s0 =	sshll.u32 s0, $0x11  }
0xbd: {  	s0 =	sor.u32 s0, s1  }
0xbe: {  	s0 =	sadd.s32 $0x8F2B, s0  }
0xbf: {  	[sflag:s0] =	ssyncadd.remote.s32 $0x1  }
0xc0: {  	_ =	sfence.sel $0xFFFF  }
0xc1: {  	[dreg:$0x0] =	wrdreg $0xFFFFFFFF;
	(pc) =	sbr.abs _section_cstart, $3  }
0xc2: {  	[dreg:$0x1] =	wrdreg $0xFFFFFFFF  }
0xc3: {  	_ =	task.clear_ibuf [dreg:s7], $0x2FFFF;
	_ =	strace $0x9FFFFFFF  }
0xc4: {  	(tm) =	ssettm $0x7FFFFFFF  }
0xc5: {  	_ =	shalt  }
tec
execute0_lowered:
.L_overlay_start_1:
0x0: {  	(tag) =	ssettag $0x1  }
0x1: {  	s6 =	stileid.u32  }
0x2: {  	s5 =	rddreg [dreg:$0x0];
	p0 =	sne.s32 s6, $0x0  }
.Ltmp0:
0x3: {  	s3 =	rddreg [dreg:$0x1];
	(pc) =	sbr.rel @p0 .LBB2_10-.Ltmp0, $4  }
0x4: {  	s2 =	rddreg [dreg:$0x2]  }
0x5: {  	s1 =	rddreg [dreg:$0x3];
	s4 =	simm.s32 $0x0  }
0x6: {  	[smem:$0x7FF] =	sst s4  }
0x7: {  	s0 =	rddreg [dreg:$0x4];
	_ =	strace $0x80000047  }
0x8: {  	[tilespmem:s4], [sflag:$0x2] =	stream.linear.gather [hbm4b:s3+s4], $0x4, $0x38;
	[tilespmem:$0xA880] =	vst v63  }
0x9: {  	s3 =	simm.s32 $0x2  }
0xa: {  	_ =	swait.ge [sflag:s3], $0x4  }
0xb: {  	[sflag:s3] =	ssyncset.done $0x0  }
0xc: {  	[sflag:s3] =	ssyncadd.s32 $0xFFFFFFFC  }
0xd: {  	v0 =	vld [tilespmem:$0x0];
	_ =	sdelay $0x1  }
0xe: {  	v1 =	vlaneseq.u32  }
0xf: {  	v2 =	vmul.u32 $0x1000, v1;
	_ =	sdelay $0x1  }
0x10: {  	vm0 =	vmmov $0xf;
	v0 =	vadd.s32 v2, v0  }
0x11: {  	v0 =	vnsel vm0, $0x0, v0  }
0x12: {  	v2 =	vshll.u32 v0, $0x4  }
0x13: {  	v3 =	vand.u32 $0x7, v0;
	v2 =	vand.u32 $0xFFFFFF80, v2  }
0x14: {  	v4 =	vshrl.u32 v1, $0x3;
	v2 =	vor.u32 v3, v2;
	v3 =	vand.u32 $0x7, v1  }
0x15: {  	v4 =	vmul.u32 $0x8, v4;
	v3 =	vperm.xlane v2, v3;
	_ =	sdelay $0x1  }
0x16: {  	v3 =	vadd.s32 v4, v3;
	_ =	sdelay $0x3  }
0x17: {  	vm15 =	vmmov $0xffff;
	s6 =	simm.s32 $0x80;
	[tilespmem:$0x0] =	vst v0  }
0x18: {  	[tilespmem:s6], [sflag:$0x1] =	stream.indirect_vreg.gather [hbm4b:s5+s4], $0x80, v3, vm15, $0xb8;
	[tilespmem:$0xA880] =	vst v63  }
0x19: {  	s7 =	sadd.s32 $0x100, s5;
	s8 =	simm.s32 $0x880  }
0x1a: {  	[tilespmem:s8], [sflag:$0x1] =	stream.indirect_vreg.gather [hbm4b:s7+s4], $0x80, v3, vm15, $0xb8;
	[tilespmem:$0xA880] =	vst v63  }
0x1b: {  	s30 =	sadd.s32 $0x200, s5;
	s9 =	simm.s32 $0x1080  }
0x1c: {  	[tilespmem:s9], [sflag:$0x1] =	stream.indirect_vreg.gather [hbm4b:s30+s4], $0x80, v3, vm15, $0xb8;
	[tilespmem:$0xA880] =	vst v63  }
0x1d: {  	s31 =	sadd.s32 $0x300, s5;
	s10 =	simm.s32 $0x1880  }
0x1e: {  	[tilespmem:s10], [sflag:$0x1] =	stream.indirect_vreg.gather [hbm4b:s31+s4], $0x80, v3, vm15, $0xb8;
	[tilespmem:$0xA880] =	vst v63  }
0x1f: {  	s15 =	sadd.s32 $0x400, s5;
	s11 =	simm.s32 $0x2080  }
0x20: {  	v0 =	vor.u32 $0x8, v1;
	[tilespmem:s11], [sflag:$0x1] =	stream.indirect_vreg.gather [hbm4b:s15+s4], $0x80, v3, vm15, $0xb8;
	[tilespmem:$0xA880] =	vst v63  }
0x21: {  	s16 =	sadd.s32 $0x500, s5;
	s12 =	simm.s32 $0x2880;
	v0 =	vperm.xlane v2, v0  }
0x22: {  	[tilespmem:s12], [sflag:$0x1] =	stream.indirect_vreg.gather [hbm4b:s16+s4], $0x80, v3, vm15, $0xb8;
	[tilespmem:$0xA880] =	vst v63  }
0x23: {  	s17 =	sadd.s32 $0x600, s5;
	s13 =	simm.s32 $0x3080;
	v0 =	vadd.s32 v4, v0  }
0x24: {  	[tilespmem:s13], [sflag:$0x1] =	stream.indirect_vreg.gather [hbm4b:s17+s4], $0x80, v3, vm15, $0xb8;
	[tilespmem:$0xA880] =	vst v63  }
0x25: {  	s18 =	sadd.s32 $0x700, s5;
	s14 =	simm.s32 $0x3880  }
0x26: {  	[tilespmem:s14], [sflag:$0x1] =	stream.indirect_vreg.gather [hbm4b:s18+s4], $0x80, v3, vm15, $0xb8;
	[tilespmem:$0xA880] =	vst v63  }
0x27: {  	s19 =	simm.s32 $0x4080  }
0x28: {  	[tilespmem:s19], [sflag:$0x1] =	stream.indirect_vreg.gather [hbm4b:s5+s4], $0x80, v0, vm15, $0xb8;
	[tilespmem:$0xA880] =	vst v63  }
0x29: {  	s20 =	simm.s32 $0x4880  }
0x2a: {  	[tilespmem:s20], [sflag:$0x1] =	stream.indirect_vreg.gather [hbm4b:s7+s4], $0x80, v0, vm15, $0xb8;
	[tilespmem:$0xA880] =	vst v63  }
0x2b: {  	s21 =	simm.s32 $0x5080  }
0x2c: {  	[tilespmem:s21], [sflag:$0x1] =	stream.indirect_vreg.gather [hbm4b:s30+s4], $0x80, v0, vm15, $0xb8;
	[tilespmem:$0xA880] =	vst v63  }
0x2d: {  	s22 =	simm.s32 $0x5880  }
0x2e: {  	[tilespmem:s22], [sflag:$0x1] =	stream.indirect_vreg.gather [hbm4b:s31+s4], $0x80, v0, vm15, $0xb8;
	[tilespmem:$0xA880] =	vst v63  }
0x2f: {  	s23 =	simm.s32 $0x6080  }
0x30: {  	[tilespmem:s23], [sflag:$0x1] =	stream.indirect_vreg.gather [hbm4b:s15+s4], $0x80, v0, vm15, $0xb8;
	[tilespmem:$0xA880] =	vst v63  }
0x31: {  	s24 =	simm.s32 $0x6880  }
0x32: {  	[tilespmem:s24], [sflag:$0x1] =	stream.indirect_vreg.gather [hbm4b:s16+s4], $0x80, v0, vm15, $0xb8;
	[tilespmem:$0xA880] =	vst v63  }
0x33: {  	s25 =	simm.s32 $0x7080  }
0x34: {  	[tilespmem:s25], [sflag:$0x1] =	stream.indirect_vreg.gather [hbm4b:s17+s4], $0x80, v0, vm15, $0xb8;
	[tilespmem:$0xA880] =	vst v63  }
0x35: {  	s26 =	simm.s32 $0x7880;
	s28 =	simm.s32 $0x1  }
0x36: {  	[tilespmem:s26], [sflag:$0x1] =	stream.indirect_vreg.gather [hbm4b:s18+s4], $0x80, v0, vm15, $0xb8;
	[tilespmem:$0xA880] =	vst v63  }
0x37: {  	_ =	swait.ge [sflag:s28], $0x8000  }
0x38: {  	s2 =	sadd.s32 $0x4D020, s2;
	[sflag:s28] =	ssyncset.done $0x0  }
0x39: {  	s29 =	simm.s32 $0x400;
	s30 =	simm.s32 $0x8080;
	[sflag:s28] =	ssyncadd.s32 $0xFFFF8000  }
0x3a: {  	[tilespmem:s30], [sflag:$0x2] =	stream.strided.gather [hbm4b:s2+s6], $0x800, s29, s6, $0x38;
	[tilespmem:$0xA880] =	vst v63  }
0x3b: {  	_ =	swait.ge [sflag:s3], $0x800  }
0x3c: {  	[sflag:s3] =	ssyncset.done $0x0  }
0x3d: {  	s31 =	simm.s32 $0x0;
	[sflag:s3] =	ssyncadd.s32 $0xFFFFF800  }
0x3e: {  	v1 =	vld [tilespmem:s31+$0x8080]  }
0x3f: {  	s1 =	sadd.s32 $0x800, s1;
	v0 =	vimm.f32 $0.0e+00;
	s2 =	simm.s32 $0x40  }
.LBB2_2:
0x40: {  	p1 =	sne.s32 s2, $0x1FC0  }
.Ltmp1:
0x41: {  	_ = 	snop;
	(pc) =	sbr.rel @p1 .LBB2_2-.Ltmp1, $4  }
0x42: {  	_ = 	snop  }
0x43: {  	s3 =	sshra.s32 s2, $0x2;
	s2 =	sadd.s32 $0x40, s2;
	v2 =	vmul.f32 v1, v1  }
0x44: {  	v1 =	vld [tilespmem:s3+$0x8080]  }
0x45: {  	v0 =	vadd.f32 v2, v0  }
0x46: {  	_ =	sdelay $0x2  }
0x47: {  	v1 =	vmul.f32 v1, v1;
	_ =	sdelay $0x1  }
0x48: {  	v0 =	vadd.f32 v1, v0;
	_ =	sdelay $0x1  }
0x49: {  	(xrf2) =	vadd.scan.msk.f32 $0xffff, v0;
	_ =	sdelay $0x9  }
0x4a: {  	v0, _, _ =	vpop (xrf2)  }
0x4b: {  	v0 =	vmax.f32 v0, $1.000000020e-24  }
0x4c: {  	v0 =	vbroadcast v0, $0xF;
	_ =	sdelay $0x1  }
0x4d: {  	v1 =	vshra.s32 v0, $0x1;
	v0 =	vmul.f32 $5.000000000e-01, v0  }
0x4e: {  	v1 =	vsub.s32 $0x5F3759DF, v1  }
0x4f: {  	v2 =	vmul.f32 v1, v0;
	_ =	sdelay $0x1  }
0x50: {  	v2 =	vmul.f32 v1, v2;
	_ =	sdelay $0x1  }
0x51: {  	v2 =	vsub.f32 $1.500000000e+00, v2;
	_ =	sdelay $0x1  }
0x52: {  	v1 =	vmul.f32 v1, v2;
	_ =	sdelay $0x1  }
0x53: {  	v2 =	vmul.f32 v1, v0;
	_ =	sdelay $0x1  }
0x54: {  	v2 =	vmul.f32 v2, v1;
	_ =	sdelay $0x1  }
0x55: {  	v2 =	vsub.f32 $1.500000000e+00, v2;
	_ =	sdelay $0x1  }
0x56: {  	v1 =	vmul.f32 v2, v1;
	_ =	sdelay $0x1  }
0x57: {  	v0 =	vmul.f32 v1, v0;
	_ =	sdelay $0x1  }
0x58: {  	v0 =	vmul.f32 v0, v1;
	_ =	sdelay $0x1  }
0x59: {  	v0 =	vsub.f32 $1.500000000e+00, v0;
	_ =	sdelay $0x1  }
0x5a: {  	s2 =	simm.s32 $0x0;
	s3 =	simm.s32 $0x0;
	v0 =	vmul.f32 v0, v1  }
.LBB2_4:
0x5b: {  	s4 =	sshll.u32 s3, $0x9  }
0x5c: {  	s4 =	sshrl.u32 s4, $0x2  }
0x5d: {  	s6 =	sand.u32 $0x3C00, s2;
	s5 =	sadd.s32 $0x80, s4  }
0x5e: {  	s7 =	sand.u32 $0x70, s2;
	s6 =	sadd.s32 s6, s5  }
0x5f: {  	s7 =	sadd.s32 s7, s6  }
0x60: {  	v2 =	vld [tilespmem:s7+$0x0]  }
0x61: {  	v1 =	vimm.f32 $0.0e+00;
	s6 =	simm.s32 $0x10;
	s7 =	simm.s32 $0x80  }
.LBB2_5:
0x62: {  	s8 =	sand.u32 $0x3C00, s7  }
0x63: {  	p1 =	sne.s32 s6, $0x7F0;
	s9 =	smov.u32 s6;
	s6 =	sadd.s32 $0x10, s6  }
.Ltmp2:
0x64: {  	s9 =	sand.u32 $0x70, s9;
	s8 =	sadd.s32 s8, s5;
	(pc) =	sbr.rel @p1 .LBB2_5-.Ltmp2, $4  }
0x65: {  	s8 =	sadd.s32 s9, s8;
	v3 =	vmul.f32 v2, v2  }
0x66: {  	v2 =	vld [tilespmem:s8+$0x0]  }
0x67: {  	v1 =	vadd.f32 v3, v1  }
0x68: {  	s7 =	sadd.s32 $0x80, s7  }
0x69: {  	_ =	sdelay $0x1  }
0x6a: {  	v2 =	vmul.f32 v2, v2;
	_ =	sdelay $0x1  }
0x6b: {  	v1 =	vadd.f32 v2, v1;
	_ =	sdelay $0x1  }
0x6c: {  	(xrf2) =	vadd.scan.msk.f32 $0xffff, v1;
	_ =	sdelay $0x9  }
0x6d: {  	v1, _, _ =	vpop (xrf2)  }
0x6e: {  	v1 =	vmul.f32 $4.882812500e-04, v1;
	_ =	sdelay $0x1  }
0x6f: {  	v1 =	vmax.f32 v1, $1.000000000e-30  }
0x70: {  	v1 =	vbroadcast v1, $0xF;
	_ =	sdelay $0x1  }
0x71: {  	v2 =	vshra.s32 v1, $0x1;
	v3 =	vmul.f32 $5.000000000e-01, v1  }
0x72: {  	v2 =	vsub.s32 $0x5F3759DF, v2  }
0x73: {  	v4 =	vmul.f32 v2, v3;
	_ =	sdelay $0x1  }
0x74: {  	v4 =	vmul.f32 v2, v4;
	_ =	sdelay $0x1  }
0x75: {  	v4 =	vsub.f32 $1.500000000e+00, v4;
	_ =	sdelay $0x1  }
0x76: {  	v2 =	vmul.f32 v2, v4;
	_ =	sdelay $0x1  }
0x77: {  	v4 =	vmul.f32 v2, v3;
	_ =	sdelay $0x1  }
0x78: {  	v4 =	vmul.f32 v4, v2;
	_ =	sdelay $0x1  }
0x79: {  	v4 =	vsub.f32 $1.500000000e+00, v4;
	_ =	sdelay $0x1  }
0x7a: {  	v2 =	vmul.f32 v4, v2;
	_ =	sdelay $0x1  }
0x7b: {  	v3 =	vmul.f32 v2, v3;
	_ =	sdelay $0x1  }
0x7c: {  	v3 =	vmul.f32 v3, v2;
	_ =	sdelay $0x1  }
0x7d: {  	v3 =	vsub.f32 $1.500000000e+00, v3;
	_ =	sdelay $0x1  }
0x7e: {  	v2 =	vmul.f32 v3, v2;
	_ =	sdelay $0x1  }
0x7f: {  	v1 =	vmul.f32 v2, v1;
	_ =	sdelay $0x1  }
0x80: {  	v1 =	vmul.f32 $3.000000120e-01, v1  }
0x81: {  	s4 =	sadd.s32 $0x8880, s4;
	s5 =	simm.s32 $0x0  }
0x82: {  	s8 =	simm.s32 $0x0;
	s6 =	simm.s32 $0x10;
	s7 =	simm.s32 $0x0;
	v1 =	vmul.f32 v1, v0  }
.LBB2_7:
0x83: {  	p1 =	sne.s32 s6, $0x7F0;
	v2 =	vld [tilespmem:s8+$0x8080];
	_ =	sdelay $0x2  }
.Ltmp3:
0x84: {  	(pc) =	sbr.rel @p1 .LBB2_7-.Ltmp3, $4  }
0x85: {  	s8 =	sand.u32 $0x1E00, s5  }
0x86: {  	s9 =	sand.u32 $0x70, s7;
	s7 =	smov.u32 s6;
	s8 =	sadd.s32 s8, s4;
	v2 =	vmul.f32 v2, v1  }
0x87: {  	s5 =	sadd.s32 $0x40, s5;
	s9 =	sadd.s32 s9, s8  }
0x88: {  	s6 =	sadd.s32 $0x10, s6;
	s8 =	sshra.s32 s5, $0x2;
	[tilespmem:s9+$0x0] =	vst v2  }
0x89: {  	v2 =	vld [tilespmem:s8+$0x8080]  }
0x8a: {  	s3 =	sadd.s32 $0x1, s3  }
0x8b: {  	p1 =	sne.s32 s3, $0x4  }
.Ltmp4:
0x8c: {  	_ = 	snop;
	(pc) =	sbr.rel @p1 .LBB2_4-.Ltmp4, $4  }
0x8d: {  	s5 =	sand.u32 $0x1E00, s5  }
0x8e: {  	s6 =	sand.u32 $0x70, s7;
	s4 =	sadd.s32 s5, s4;
	v1 =	vmul.f32 v2, v1  }
0x8f: {  	s4 =	sadd.s32 s6, s4  }
0x90: {  	[tilespmem:s4+$0x0] =	vst v1  }
0x91: {  	s2 =	simm.s32 $0x0;
	s3 =	simm.s32 $0x8880;
	s31 =	simm.s32 $0x2  }
0x92: {  	[hbm4b:s1+s2] =	stream.linear.scatter [tilespmem:s3], [sflag:$0x2], $0x2000, $0x38;
	[tilespmem:$0xA880] =	vst v63  }
0x93: {  	_ =	swait.ge [sflag:s31], $0x2000  }
0x94: {  	[sflag:s31] =	ssyncset.done $0x0  }
0x95: {  	[sflag:s31] =	ssyncadd.s32 $0xFFFFE000  }
.LBB2_10:
0x96: {  	_ =	sfence.sel $0x180000  }
0x97: {  	[bflag:$0x0] =	sbarrier.arrive $0xFFFF  }
0x98: {  	_ =	strace $0x90000047  }
0x99: {  	s0 =	sadd.s32 @!p0 $0x100000, s0;
	[bflag:$0x2] =	sbarrier.arrive $0xFFFF  }
0x9a: {  	[sflag:s0] =	ssyncadd.tile.s32 @!p0 $0x1;
	_ =	shalt  }
.Lfunc_end2:
_tile_overlayer_lowered:
.L_overlay_start_2:
0x9b: {  	(tag) =	ssettag $0x2  }
0x9c: {  	s0 =	rddreg [dreg:$0x0];
	s2 =	stileid.u32  }
0x9d: {  	s1 =	rddreg [dreg:$0x1];
	p0 =	sne.s32 s2, $0x0  }
0x9e: {  	s3 =	rddreg [dreg:$0x2];
	[bflag:$0x3] =	sbarrier.arrive $0xFFFF;
	s2 =	simm.s32 @!p0 $0x1C02  }
0x9f: {  	[timem:s3], [sflag:s2] =	dma.local @!p0 [hbm:s0], s1  }
0xa0: {  	s0 =	simm.s32 @!p0 $0x2  }
0xa1: {  	_ =	swait.ge @!p0 [sflag:s0], s1  }
0xa2: {  	s1 =	ssub.s32 @!p0 $0x0, s1;
	[sflag:s0] =	ssyncset.done @!p0 $0x0  }
0xa3: {  	[sflag:s0] =	ssyncadd.s32 @!p0 s1  }
0xa4: {  	[bflag:$0x3] =	sbarrier.arrive $0xFFFF  }
0xa5: {  	_ =	shalt  }

</sc_bundles>
